<compile_context>
chip_gen: v7x
topology: tpu7x:2x2x1
jax: 0.10.2.dev20260603
libtpu: 0.0.44.dev20260713+nightly
codegen_flags: <defaults>
</compile_context>

<pallas_src>
import functools

import jax
import jax.numpy as jnp
from jax import lax
from jax.experimental import pallas as pl
from jax.experimental.pallas import tpu as pltpu
from jax.experimental.pallas import tpu_sc as plsc

TOK = 8192
K = 8192
D = 32
TB = 512


def _tc_body(z_ref, zsq_ref, w_ref, wsq_ref, idx_ref, vsum_ref):
    zb = z_ref[...] * 2.0
    cross2 = lax.dot_general(
        zb, w_ref[...], (((1,), (1,)), ((), ())),
        preferred_element_type=jnp.float32)
    t = zsq_ref[...] + wsq_ref[...]
    d2 = t - cross2
    s = d2 * lax.rsqrt(d2)
    smin = jnp.min(s, axis=1, keepdims=True)
    iota = lax.broadcasted_iota(jnp.int32, (TB, K), 1)
    cand = jnp.where(s == smin, iota, jnp.int32(K))
    idxv = jnp.min(cand, axis=1, keepdims=True)
    idx_ref[...] = idxv.reshape(1, TB // 128, 128)

    part = jnp.sum(smin * smin).reshape(1, 1)

    @pl.when(pl.program_id(0) == 0)
    def _():
        vsum_ref[...] = jnp.zeros((1, 1), jnp.float32)

    vsum_ref[...] = vsum_ref[...] + part


_tc_call = pl.pallas_call(
    _tc_body,
    grid=(TOK // TB,),
    in_specs=[
        pl.BlockSpec((TB, D), lambda i: (i, 0)),
        pl.BlockSpec((TB, 1), lambda i: (i, 0)),
        pl.BlockSpec((K, D), lambda i: (0, 0)),
        pl.BlockSpec((1, K), lambda i: (0, 0)),
    ],
    out_specs=[
        pl.BlockSpec((1, TB // 128, 128), lambda i: (i, 0, 0)),
        pl.BlockSpec((1, 1), lambda i: (0, 0)),
    ],
    out_shape=[
        jax.ShapeDtypeStruct((TOK // TB, TB // 128, 128), jnp.int32),
        jax.ShapeDtypeStruct((1, 1), jnp.float32),
    ],
)

_NC = 2
_NS = 16
_NW = _NC * _NS
_BPW = TOK // _NW
_IC = 128


def _sc_body(w_hbm, idx_hbm, z_hbm, out_hbm, idx_v, rows_v, z_v, sem):
    wid = lax.axis_index("s") * _NC + lax.axis_index("c")
    base = wid * _BPW
    nch = _BPW // _IC
    pltpu.sync_copy(idx_hbm.at[pl.ds(wid * nch, nch)], idx_v)
    for j in range(nch):
        pltpu.async_copy(
            w_hbm.at[idx_v.at[j]],
            rows_v.at[pl.ds(j * _IC, _IC)], sem).wait()
    pltpu.sync_copy(z_hbm.at[pl.ds(base, _BPW)], z_v)

    def ste_row(i, _):
        for j in range(D // 16):
            sl = pl.ds(j * 16, 16)
            zr = z_v[i, sl]
            z_v[i, sl] = zr + (rows_v[i, sl] - zr)
        return 0

    lax.fori_loop(0, _BPW, ste_row, 0)
    pltpu.sync_copy(z_v, out_hbm.at[pl.ds(base, _BPW)])


@functools.cache
def _sc_gather_ste():
    return pl.kernel(
        _sc_body,
        out_type=jax.ShapeDtypeStruct((TOK, D), jnp.float32),
        mesh=plsc.VectorSubcoreMesh(core_axis_name="c", subcore_axis_name="s"),
        scratch_types=[
            pltpu.VMEM((_BPW // _IC, _IC), jnp.int32),
            pltpu.VMEM((_BPW, 128), jnp.float32),
            pltpu.VMEM((_BPW, D), jnp.float32),
            pltpu.SemaphoreType.DMA,
        ],
    )


def kernel(z, weight):
    b, t, d = z.shape
    zf = z.reshape(b * t, d)
    zsq = jnp.sum(z * z, axis=-1, keepdims=True).reshape(b * t, 1)
    wsq = jnp.sum(weight * weight, axis=-1).reshape(1, K)
    idx, vsum = _tc_call(zf, zsq, weight, wsq)

    wpad = jnp.pad(weight, ((0, 0), (0, 128 - D)))
    zq = _sc_gather_ste()(wpad, idx.reshape(TOK // _IC, _IC), zf)

    mean = vsum[0, 0] / jnp.float32(b * t * d)
    loss = mean * 0.25 + mean
    return zq.reshape(b, t, d), loss

# --- scband reference (transcript-rebuilt; emitter-appended) ---
"""Pipeline reference for scband-vector-quantiser-28656021799185 (READ-ONLY COPY).

The authoritative reference and input builder live on the scoring server;
editing this copy changes nothing except your own understanding.
"""

import jax, jax.numpy as jnp
import numpy as np

NUM_EMBEDDINGS = 8192
EMBEDDING_DIM = 32
COMMITMENT_COST = 0.25


def setup_inputs(seed: int = 0) -> dict:
    key = jax.random.key(seed)
    k1, k2 = jax.random.split(key)
    z = jax.random.normal(k1, (8, 1024, EMBEDDING_DIM), dtype=jnp.float32)
    weight = jax.random.uniform(
        k2, (NUM_EMBEDDINGS, EMBEDDING_DIM), dtype=jnp.float32,
        minval=-1.0 / NUM_EMBEDDINGS, maxval=1.0 / NUM_EMBEDDINGS)
    return {"z": z, "weight": weight}


def reference(z, weight):
    # torch.cdist(z, weight): pairwise Euclidean distances (B, T, K)
    z_sq = jnp.sum(z * z, axis=-1, keepdims=True)            # (B, T, 1)
    w_sq = jnp.sum(weight * weight, axis=-1)                  # (K,)
    cross = jnp.einsum('btd,kd->btk', z, weight)              # (B, T, K)
    d2 = z_sq + w_sq[None, None, :] - 2.0 * cross
    dists = jnp.sqrt(jnp.maximum(d2, 0.0))
    indices = jnp.argmin(dists, axis=-1)                      # (B, T)
    z_q = jnp.take(weight, indices, axis=0)                   # embedding lookup -> (B, T, D)
    commit = jnp.mean((jax.lax.stop_gradient(z_q) - z) ** 2) * COMMITMENT_COST
    embed = jnp.mean((z_q - jax.lax.stop_gradient(z)) ** 2)
    loss = commit + embed
    z_q = z + jax.lax.stop_gradient(z_q - z)                  # straight-through estimator
    return (z_q, loss)

if __name__ == "__main__":
    import jax
    _d = setup_inputs()
    print(jax.jit(kernel)(*tuple(_d.values())))

</pallas_src>

<mosaic_0001>
#map = affine_map<(d0, d1) -> (0, 0)>
module attributes {stable_mosaic.version = 14 : i64} {
  func.func @_sc_body(%arg0: i32, %arg1: i32, %arg2: memref<8192x128xf32, #tpu.memory_space<hbm>>, %arg3: memref<64x128xi32, #tpu.memory_space<hbm>>, %arg4: memref<8192x32xf32, #tpu.memory_space<hbm>>, %arg5: memref<8192x32xf32, #tpu.memory_space<hbm>>, %arg6: memref<2x128xi32, #tpu.memory_space<vmem>>, %arg7: memref<256x128xf32, #tpu.memory_space<vmem>>, %arg8: memref<256x32xf32, #tpu.memory_space<vmem>>, %arg9: memref<!tpu.dma_semaphore, #tpu.memory_space<semaphore_mem>>) attributes {dimension_semantics = [#tpu.dimension_semantics<core_parallel>, #tpu.dimension_semantics<subcore_parallel>], iteration_bounds = array<i64: 2, 16>, scalar_prefetch = 0 : i64, scratch_operands = 4 : i64, tpu.core_type = #tpu.core_type<sc_vector_subcore>, window_params = [{transform_indices = #map}, {transform_indices = #map}, {transform_indices = #map}, {transform_indices = #map}]} {
    %mul3A = arith.constant 2 : i32
    %mul3A_0 = arith.muli %arg1, %mul3A : i32
    %add3A = arith.addi %mul3A_0, %arg0 : i32
    %mul3A_1 = arith.constant 256 : i32
    %mul3A_2 = arith.muli %add3A, %mul3A_1 : i32
    %mul3A_3 = arith.constant 2 : i32
    %mul3A_4 = arith.muli %add3A, %mul3A_3 : i32
    "tpu.region"() ({
      %run_scoped3A = tpu.sem_alloc : memref<!tpu.dma_semaphore, #tpu.memory_space<semaphore_mem>>
      %dma_start3A_49 = arith.constant 0 : i32
      %dma_start3A_50 = tpu.memref_slice %arg3[%mul3A_4, %dma_start3A_49] : memref<64x128xi32, #tpu.memory_space<hbm>> -> memref<2x128xi32, #tpu.memory_space<hbm>>
      %dma_start3A_51 = arith.constant 0 : i32
      %dma_start3A_52 = tpu.memref_slice %arg3[%mul3A_4, %dma_start3A_51] : memref<64x128xi32, #tpu.memory_space<hbm>> -> memref<2x128xi32, #tpu.memory_space<hbm>>
      tpu.enqueue_dma source(%dma_start3A_52 : memref<2x128xi32, #tpu.memory_space<hbm>>) target(%arg6 : memref<2x128xi32, #tpu.memory_space<vmem>>) target_semaphore(%run_scoped3A : memref<!tpu.dma_semaphore, #tpu.memory_space<semaphore_mem>>)
      %dma_wait3A_53 = arith.constant 0 : i32
      %dma_wait3A_54 = tpu.memref_slice %arg3[%mul3A_4, %dma_wait3A_53] : memref<64x128xi32, #tpu.memory_space<hbm>> -> memref<2x128xi32, #tpu.memory_space<hbm>>
      %dma_wait3A_55 = arith.constant 0 : i32
      %dma_wait3A_56 = tpu.memref_slice %arg3[%mul3A_4, %dma_wait3A_55] : memref<64x128xi32, #tpu.memory_space<hbm>> -> memref<2x128xi32, #tpu.memory_space<hbm>>
      tpu.wait_dma2 semaphore(%run_scoped3A : memref<!tpu.dma_semaphore, #tpu.memory_space<semaphore_mem>>) src(%dma_wait3A_56 : memref<2x128xi32, #tpu.memory_space<hbm>>) dst(%arg6 : memref<2x128xi32, #tpu.memory_space<vmem>>)
      tpu.yield
    }) : () -> ()
    %dma_start3A = arith.constant 0 : i32
    %dma_start3A_5 = arith.constant 0 : i32
    %dma_start3A_6 = arith.constant 0 : i32
    %dma_start3A_7 = tpu.memref_slice %arg7[%dma_start3A_5, %dma_start3A_6] : memref<256x128xf32, #tpu.memory_space<vmem>> -> memref<128x128xf32, #tpu.memory_space<vmem>>
    %dma_start3A_8 = arith.constant 0 : i32
    %dma_start3A_9 = tpu.memref_slice %arg6[%dma_start3A, %dma_start3A_8] : memref<2x128xi32, #tpu.memory_space<vmem>> -> memref<1x128xi32, #tpu.memory_space<vmem>>
    %dma_start3A_10 = tpu.memref_squeeze %dma_start3A_9 : memref<1x128xi32, #tpu.memory_space<vmem>> -> memref<128xi32, #tpu.memory_space<vmem>>
    %dma_start3A_11 = arith.constant 0 : i32
    %dma_start3A_12 = arith.constant 0 : i32
    %dma_start3A_13 = tpu.memref_slice %arg2[%dma_start3A_11, %dma_start3A_12] : memref<8192x128xf32, #tpu.memory_space<hbm>> -> memref<8192x128xf32, #tpu.memory_space<hbm>>
    tpu.enqueue_indirect_dma source(%dma_start3A_13 : memref<8192x128xf32, #tpu.memory_space<hbm>>) target(%dma_start3A_7 : memref<128x128xf32, #tpu.memory_space<vmem>>) offsets(%dma_start3A_10 : memref<128xi32, #tpu.memory_space<vmem>>) semaphore(%arg9 : memref<!tpu.dma_semaphore, #tpu.memory_space<semaphore_mem>>)
    %dma_wait3A = arith.constant 0 : i32
    %dma_wait3A_14 = arith.constant 0 : i32
    %dma_wait3A_15 = arith.constant 0 : i32
    %dma_wait3A_16 = tpu.memref_slice %arg7[%dma_wait3A_14, %dma_wait3A_15] : memref<256x128xf32, #tpu.memory_space<vmem>> -> memref<128x128xf32, #tpu.memory_space<vmem>>
    %dma_wait3A_17 = arith.constant 0 : i32
    %dma_wait3A_18 = tpu.memref_slice %arg6[%dma_wait3A, %dma_wait3A_17] : memref<2x128xi32, #tpu.memory_space<vmem>> -> memref<1x128xi32, #tpu.memory_space<vmem>>
    %dma_wait3A_19 = tpu.memref_squeeze %dma_wait3A_18 : memref<1x128xi32, #tpu.memory_space<vmem>> -> memref<128xi32, #tpu.memory_space<vmem>>
    %dma_wait3A_20 = arith.constant 0 : i32
    %dma_wait3A_21 = arith.constant 0 : i32
    %dma_wait3A_22 = tpu.memref_slice %arg2[%dma_wait3A_20, %dma_wait3A_21] : memref<8192x128xf32, #tpu.memory_space<hbm>> -> memref<8192x128xf32, #tpu.memory_space<hbm>>
    tpu.wait_indirect_dma semaphore(%arg9 : memref<!tpu.dma_semaphore, #tpu.memory_space<semaphore_mem>>) src(%dma_wait3A_22 : memref<8192x128xf32, #tpu.memory_space<hbm>>) dst(%dma_wait3A_16 : memref<128x128xf32, #tpu.memory_space<vmem>>)
    %dma_start3A_23 = arith.constant 1 : i32
    %dma_start3A_24 = arith.constant 128 : i32
    %dma_start3A_25 = arith.constant 0 : i32
    %dma_start3A_26 = tpu.memref_slice %arg7[%dma_start3A_24, %dma_start3A_25] : memref<256x128xf32, #tpu.memory_space<vmem>> -> memref<128x128xf32, #tpu.memory_space<vmem>>
    %dma_start3A_27 = arith.constant 0 : i32
    %dma_start3A_28 = tpu.memref_slice %arg6[%dma_start3A_23, %dma_start3A_27] : memref<2x128xi32, #tpu.memory_space<vmem>> -> memref<1x128xi32, #tpu.memory_space<vmem>>
    %dma_start3A_29 = tpu.memref_squeeze %dma_start3A_28 : memref<1x128xi32, #tpu.memory_space<vmem>> -> memref<128xi32, #tpu.memory_space<vmem>>
    %dma_start3A_30 = arith.constant 0 : i32
    %dma_start3A_31 = arith.constant 0 : i32
    %dma_start3A_32 = tpu.memref_slice %arg2[%dma_start3A_30, %dma_start3A_31] : memref<8192x128xf32, #tpu.memory_space<hbm>> -> memref<8192x128xf32, #tpu.memory_space<hbm>>
    tpu.enqueue_indirect_dma source(%dma_start3A_32 : memref<8192x128xf32, #tpu.memory_space<hbm>>) target(%dma_start3A_26 : memref<128x128xf32, #tpu.memory_space<vmem>>) offsets(%dma_start3A_29 : memref<128xi32, #tpu.memory_space<vmem>>) semaphore(%arg9 : memref<!tpu.dma_semaphore, #tpu.memory_space<semaphore_mem>>)
    %dma_wait3A_33 = arith.constant 1 : i32
    %dma_wait3A_34 = arith.constant 128 : i32
    %dma_wait3A_35 = arith.constant 0 : i32
    %dma_wait3A_36 = tpu.memref_slice %arg7[%dma_wait3A_34, %dma_wait3A_35] : memref<256x128xf32, #tpu.memory_space<vmem>> -> memref<128x128xf32, #tpu.memory_space<vmem>>
    %dma_wait3A_37 = arith.constant 0 : i32
    %dma_wait3A_38 = tpu.memref_slice %arg6[%dma_wait3A_33, %dma_wait3A_37] : memref<2x128xi32, #tpu.memory_space<vmem>> -> memref<1x128xi32, #tpu.memory_space<vmem>>
    %dma_wait3A_39 = tpu.memref_squeeze %dma_wait3A_38 : memref<1x128xi32, #tpu.memory_space<vmem>> -> memref<128xi32, #tpu.memory_space<vmem>>
    %dma_wait3A_40 = arith.constant 0 : i32
    %dma_wait3A_41 = arith.constant 0 : i32
    %dma_wait3A_42 = tpu.memref_slice %arg2[%dma_wait3A_40, %dma_wait3A_41] : memref<8192x128xf32, #tpu.memory_space<hbm>> -> memref<8192x128xf32, #tpu.memory_space<hbm>>
    tpu.wait_indirect_dma semaphore(%arg9 : memref<!tpu.dma_semaphore, #tpu.memory_space<semaphore_mem>>) src(%dma_wait3A_42 : memref<8192x128xf32, #tpu.memory_space<hbm>>) dst(%dma_wait3A_36 : memref<128x128xf32, #tpu.memory_space<vmem>>)
    "tpu.region"() ({
      %run_scoped3A = tpu.sem_alloc : memref<!tpu.dma_semaphore, #tpu.memory_space<semaphore_mem>>
      %dma_start3A_49 = arith.constant 0 : i32
      %dma_start3A_50 = tpu.memref_slice %arg4[%mul3A_2, %dma_start3A_49] : memref<8192x32xf32, #tpu.memory_space<hbm>> -> memref<256x32xf32, #tpu.memory_space<hbm>>
      %dma_start3A_51 = arith.constant 0 : i32
      %dma_start3A_52 = tpu.memref_slice %arg4[%mul3A_2, %dma_start3A_51] : memref<8192x32xf32, #tpu.memory_space<hbm>> -> memref<256x32xf32, #tpu.memory_space<hbm>>
      tpu.enqueue_dma source(%dma_start3A_52 : memref<256x32xf32, #tpu.memory_space<hbm>>) target(%arg8 : memref<256x32xf32, #tpu.memory_space<vmem>>) target_semaphore(%run_scoped3A : memref<!tpu.dma_semaphore, #tpu.memory_space<semaphore_mem>>)
      %dma_wait3A_53 = arith.constant 0 : i32
      %dma_wait3A_54 = tpu.memref_slice %arg4[%mul3A_2, %dma_wait3A_53] : memref<8192x32xf32, #tpu.memory_space<hbm>> -> memref<256x32xf32, #tpu.memory_space<hbm>>
      %dma_wait3A_55 = arith.constant 0 : i32
      %dma_wait3A_56 = tpu.memref_slice %arg4[%mul3A_2, %dma_wait3A_55] : memref<8192x32xf32, #tpu.memory_space<hbm>> -> memref<256x32xf32, #tpu.memory_space<hbm>>
      tpu.wait_dma2 semaphore(%run_scoped3A : memref<!tpu.dma_semaphore, #tpu.memory_space<semaphore_mem>>) src(%dma_wait3A_56 : memref<256x32xf32, #tpu.memory_space<hbm>>) dst(%arg8 : memref<256x32xf32, #tpu.memory_space<vmem>>)
      tpu.yield
    }) : () -> ()
    %scan3A = arith.constant 0 : i32
    %scan3A_43 = arith.constant 0 : i32
    %scan3A_44 = arith.constant 256 : i32
    %scan3A_45 = arith.addi %scan3A_43, %scan3A_44 : i32
    %scan3A_46 = arith.constant 1 : i32
    %scan3A_47 = scf.for %scan3A_49 = %scan3A_43 to %scan3A_45 step %scan3A_46 iter_args(%scan3A_50 = %scan3A) -> (i32)  : i32 {
      %get3A = arith.index_cast %scan3A_49 : i32 to index
      %get3A_51 = arith.constant 0 : index
      %get3A_52 = tpu.vector_load %arg8[%get3A, %get3A_51] {strides = array<i32>} : memref<256x32xf32, #tpu.memory_space<vmem>>, vector<1x16xf32>,
      %get3A_53 = vector.shape_cast %get3A_52 : vector<1x16xf32> to vector<16xf32>
      %get3A_54 = arith.index_cast %scan3A_49 : i32 to index
      %get3A_55 = arith.constant 0 : index
      %get3A_56 = tpu.vector_load %arg7[%get3A_54, %get3A_55] {strides = array<i32>} : memref<256x128xf32, #tpu.memory_space<vmem>>, vector<1x16xf32>,
      %get3A_57 = vector.shape_cast %get3A_56 : vector<1x16xf32> to vector<16xf32>
      %sub3A = arith.subf %get3A_57, %get3A_53 : vector<16xf32>
      %add3A_58 = arith.addf %get3A_53, %sub3A : vector<16xf32>
      %swap3A = arith.index_cast %scan3A_49 : i32 to index
      %swap3A_59 = arith.constant 0 : index
      %swap3A_60 = tpu.vector_load %arg8[%swap3A, %swap3A_59] {strides = array<i32>} : memref<256x32xf32, #tpu.memory_space<vmem>>, vector<1x16xf32>,
      %swap3A_61 = vector.shape_cast %swap3A_60 : vector<1x16xf32> to vector<16xf32>
      %swap3A_62 = vector.shape_cast %add3A_58 : vector<16xf32> to vector<1x16xf32>
      tpu.vector_store %arg8[%swap3A, %swap3A_59], %swap3A_62 {strides = array<i32>} : memref<256x32xf32, #tpu.memory_space<vmem>>, vector<1x16xf32>,
      %get3A_63 = arith.index_cast %scan3A_49 : i32 to index
      %get3A_64 = arith.constant 16 : index
      %get3A_65 = tpu.vector_load %arg8[%get3A_63, %get3A_64] {strides = array<i32>} : memref<256x32xf32, #tpu.memory_space<vmem>>, vector<1x16xf32>,
      %get3A_66 = vector.shape_cast %get3A_65 : vector<1x16xf32> to vector<16xf32>
      %get3A_67 = arith.index_cast %scan3A_49 : i32 to index
      %get3A_68 = arith.constant 16 : index
      %get3A_69 = tpu.vector_load %arg7[%get3A_67, %get3A_68] {strides = array<i32>} : memref<256x128xf32, #tpu.memory_space<vmem>>, vector<1x16xf32>,
      %get3A_70 = vector.shape_cast %get3A_69 : vector<1x16xf32> to vector<16xf32>
      %sub3A_71 = arith.subf %get3A_70, %get3A_66 : vector<16xf32>
      %add3A_72 = arith.addf %get3A_66, %sub3A_71 : vector<16xf32>
      %swap3A_73 = arith.index_cast %scan3A_49 : i32 to index
      %swap3A_74 = arith.constant 16 : index
      %swap3A_75 = tpu.vector_load %arg8[%swap3A_73, %swap3A_74] {strides = array<i32>} : memref<256x32xf32, #tpu.memory_space<vmem>>, vector<1x16xf32>,
      %swap3A_76 = vector.shape_cast %swap3A_75 : vector<1x16xf32> to vector<16xf32>
      %swap3A_77 = vector.shape_cast %add3A_72 : vector<16xf32> to vector<1x16xf32>
      tpu.vector_store %arg8[%swap3A_73, %swap3A_74], %swap3A_77 {strides = array<i32>} : memref<256x32xf32, #tpu.memory_space<vmem>>, vector<1x16xf32>,
      %scan3A_78 = arith.constant 0 : i32
      scf.yield %scan3A_78 : i32
    }
    %scan3A_48 = arith.constant 256 : i32
    "tpu.region"() ({
      %run_scoped3A = tpu.sem_alloc : memref<!tpu.dma_semaphore, #tpu.memory_space<semaphore_mem>>
      %dma_start3A_49 = arith.constant 0 : i32
      %dma_start3A_50 = tpu.memref_slice %arg5[%mul3A_2, %dma_start3A_49] : memref<8192x32xf32, #tpu.memory_space<hbm>> -> memref<256x32xf32, #tpu.memory_space<hbm>>
      %dma_start3A_51 = arith.constant 0 : i32
      %dma_start3A_52 = tpu.memref_slice %arg5[%mul3A_2, %dma_start3A_51] : memref<8192x32xf32, #tpu.memory_space<hbm>> -> memref<256x32xf32, #tpu.memory_space<hbm>>
      tpu.enqueue_dma source(%arg8 : memref<256x32xf32, #tpu.memory_space<vmem>>) target(%dma_start3A_52 : memref<256x32xf32, #tpu.memory_space<hbm>>) target_semaphore(%run_scoped3A : memref<!tpu.dma_semaphore, #tpu.memory_space<semaphore_mem>>)
      %dma_wait3A_53 = arith.constant 0 : i32
      %dma_wait3A_54 = tpu.memref_slice %arg5[%mul3A_2, %dma_wait3A_53] : memref<8192x32xf32, #tpu.memory_space<hbm>> -> memref<256x32xf32, #tpu.memory_space<hbm>>
      %dma_wait3A_55 = arith.constant 0 : i32
      %dma_wait3A_56 = tpu.memref_slice %arg5[%mul3A_2, %dma_wait3A_55] : memref<8192x32xf32, #tpu.memory_space<hbm>> -> memref<256x32xf32, #tpu.memory_space<hbm>>
      tpu.wait_dma2 semaphore(%run_scoped3A : memref<!tpu.dma_semaphore, #tpu.memory_space<semaphore_mem>>) src(%arg8 : memref<256x32xf32, #tpu.memory_space<vmem>>) dst(%dma_wait3A_56 : memref<256x32xf32, #tpu.memory_space<hbm>>)
      tpu.yield
    }) : () -> ()
    return
  }
}

module attributes {stable_mosaic.version = 14 : i64} {
  func.func @_tc_body(%arg0: i32, %arg1: memref<512x32xf32, #tpu.memory_space<vmem>>, %arg2: memref<512x1xf32, #tpu.memory_space<vmem>>, %arg3: memref<8192x32xf32, #tpu.memory_space<vmem>>, %arg4: memref<1x8192xf32, #tpu.memory_space<vmem>>, %arg5: memref<1x4x128xi32, #tpu.memory_space<vmem>>, %arg6: memref<1x1xf32, #tpu.memory_space<vmem>>) attributes {dimension_semantics = [#tpu.dimension_semantics<arbitrary>], iteration_bounds = array<i64: 16>, scalar_prefetch = 0 : i64, scratch_operands = 0 : i64, tpu.core_type = #tpu.core_type<tc>, window_params = [{transform_indices = @transform_0, window_bounds = array<i64: 512, 32>}, {transform_indices = @transform_1, window_bounds = array<i64: 512, 1>}, {pipeline_mode = #tpu.pipeline_mode<synchronous>, transform_indices = @transform_2, window_bounds = array<i64: 8192, 32>}, {pipeline_mode = #tpu.pipeline_mode<synchronous>, transform_indices = @transform_3, window_bounds = array<i64: 1, 8192>}, {transform_indices = @transform_4, window_bounds = array<i64: 1, 4, 128>}, {pipeline_mode = #tpu.pipeline_mode<synchronous>, transform_indices = @transform_5, window_bounds = array<i64: 1, 1>}]} {
    %get3A = arith.constant 0 : index
    %get3A_0 = arith.constant 0 : index
    %get3A_1 = vector.load %arg1[%get3A, %get3A_0] : memref<512x32xf32, #tpu.memory_space<vmem>>, vector<512x32xf32>
    %mul3A = arith.constant 2.000000e+00 : f32
    %mul3A_2 = vector.broadcast %mul3A : f32 to vector<512x32xf32>
    %mul3A_3 = arith.mulf %get3A_1, %mul3A_2 : vector<512x32xf32>
    %get3A_4 = arith.constant 0 : index
    %get3A_5 = arith.constant 0 : index
    %get3A_6 = vector.load %arg3[%get3A_4, %get3A_5] : memref<8192x32xf32, #tpu.memory_space<vmem>>, vector<8192x32xf32>
    %dot_general3A = arith.constant dense<0.000000e+00> : vector<512x8192xf32>
    %dot_general3A_7 = tpu.matmul %mul3A_3, %get3A_6, %dot_general3A {dimension_numbers = #tpu.dot_dimension_numbers<[1], [1], [0], [0], [0, 0, 1, 0], [], []>, transpose_lhs_hint = false} : vector<512x32xf32>, vector<8192x32xf32>, vector<512x8192xf32> -> vector<512x8192xf32>
    %get3A_8 = arith.constant 0 : index
    %get3A_9 = arith.constant 0 : index
    %get3A_10 = vector.load %arg2[%get3A_8, %get3A_9] : memref<512x1xf32, #tpu.memory_space<vmem>>, vector<512x1xf32>
    %get3A_11 = arith.constant 0 : index
    %get3A_12 = arith.constant 0 : index
    %get3A_13 = vector.load %arg4[%get3A_11, %get3A_12] : memref<1x8192xf32, #tpu.memory_space<vmem>>, vector<1x8192xf32>
    %add3A = vector.broadcast %get3A_10 : vector<512x1xf32> to vector<512x8192xf32>
    %add3A_14 = vector.broadcast %get3A_13 : vector<1x8192xf32> to vector<512x8192xf32>
    %add3A_15 = arith.addf %add3A, %add3A_14 : vector<512x8192xf32>
    %sub3A = arith.subf %add3A_15, %dot_general3A_7 : vector<512x8192xf32>
    %rsqrt3A = math.rsqrt %sub3A : vector<512x8192xf32>
    %mul3A_16 = arith.mulf %sub3A, %rsqrt3A : vector<512x8192xf32>
    %reduce_min3A = arith.constant dense<0x7F800000> : vector<512xf32>
    %reduce_min3A_17 = vector.multi_reduction <minimumf>, %mul3A_16, %reduce_min3A [1] : vector<512x8192xf32> to vector<512xf32>
    %broadcast_in_dim3A = vector.shape_cast %reduce_min3A_17 : vector<512xf32> to vector<512x1xf32>
    %iota3A = tpu.iota {dimensions = array<i32: 1>} : vector<512x8192xi32>
    %eq3A = vector.broadcast %broadcast_in_dim3A : vector<512x1xf32> to vector<512x8192xf32>
    %eq3A_18 = arith.cmpf oeq, %mul3A_16, %eq3A : vector<512x8192xf32>
    %jit3A = arith.constant 8192 : i32
    %broadcast_in_dim3A_19 = vector.broadcast %jit3A : i32 to vector<512x8192xi32>
    %select_n3A = arith.select %eq3A_18, %iota3A, %broadcast_in_dim3A_19 : vector<512x8192xi1>, vector<512x8192xi32>
    %reduce_min3A_20 = arith.constant dense<2147483647> : vector<512xi32>
    %reduce_min3A_21 = vector.multi_reduction <minsi>, %select_n3A, %reduce_min3A_20 [1] : vector<512x8192xi32> to vector<512xi32>
    %broadcast_in_dim3A_22 = vector.shape_cast %reduce_min3A_21 : vector<512xi32> to vector<512x1xi32>
    %reshape3A = vector.shape_cast %broadcast_in_dim3A_22 : vector<512x1xi32> to vector<1x4x128xi32>
    %swap3A = arith.constant 0 : index
    %swap3A_23 = arith.constant 0 : index
    %swap3A_24 = arith.constant 0 : index
    %swap3A_25 = vector.load %arg5[%swap3A, %swap3A_23, %swap3A_24] : memref<1x4x128xi32, #tpu.memory_space<vmem>>, vector<1x4x128xi32>
    tpu.vector_store %arg5[%swap3A, %swap3A_23, %swap3A_24], %reshape3A {strides = array<i32>} : memref<1x4x128xi32, #tpu.memory_space<vmem>>, vector<1x4x128xi32>,
    %mul3A_26 = arith.mulf %broadcast_in_dim3A, %broadcast_in_dim3A : vector<512x1xf32>
    %reduce_sum3A = vector.shape_cast %mul3A_26 : vector<512x1xf32> to vector<1x512x1xf32>
    %reduce_sum3A_27 = arith.constant dense<0.000000e+00> : vector<1xf32>
    %reduce_sum3A_28 = vector.multi_reduction <add>, %reduce_sum3A, %reduce_sum3A_27 [1, 2] : vector<1x512x1xf32> to vector<1xf32>
    %reduce_sum3A_29 = vector.shape_cast %reduce_sum3A_28 : vector<1xf32> to vector<1x1x1xf32>
    %reduce_sum3A_30 = vector.extract %reduce_sum3A_29[0, 0, 0] : f32 from vector<1x1x1xf32>
    %reshape3A_31 = vector.broadcast %reduce_sum3A_30 : f32 to vector<1x1xf32>
    %eq3A_32 = arith.constant 0 : i32
    %eq3A_33 = arith.cmpi eq, %arg0, %eq3A_32 : i32
    %convert_element_type3A = arith.extui %eq3A_33 : i1 to i32
    %cond3A = arith.constant 0 : i32
    %cond3A_34 = arith.cmpi ne, %convert_element_type3A, %cond3A : i32
    scf.if %cond3A_34 {
      %broadcast_in_dim3A_42 = arith.constant 0.000000e+00 : f32
      %broadcast_in_dim3A_43 = vector.broadcast %broadcast_in_dim3A_42 : f32 to vector<1x1xf32>
      %swap3A_44 = arith.constant 0 : index
      %swap3A_45 = arith.constant 0 : index
      %swap3A_46 = vector.load %arg6[%swap3A_44, %swap3A_45] : memref<1x1xf32, #tpu.memory_space<vmem>>, vector<1x1xf32>
      tpu.vector_store %arg6[%swap3A_44, %swap3A_45], %broadcast_in_dim3A_43 {strides = array<i32>} : memref<1x1xf32, #tpu.memory_space<vmem>>, vector<1x1xf32>,
    } else {
    }
    %get3A_35 = arith.constant 0 : index
    %get3A_36 = arith.constant 0 : index
    %get3A_37 = vector.load %arg6[%get3A_35, %get3A_36] : memref<1x1xf32, #tpu.memory_space<vmem>>, vector<1x1xf32>
    %add3A_38 = arith.addf %get3A_37, %reshape3A_31 : vector<1x1xf32>
    %swap3A_39 = arith.constant 0 : index
    %swap3A_40 = arith.constant 0 : index
    %swap3A_41 = vector.load %arg6[%swap3A_39, %swap3A_40] : memref<1x1xf32, #tpu.memory_space<vmem>>, vector<1x1xf32>
    tpu.vector_store %arg6[%swap3A_39, %swap3A_40], %add3A_38 {strides = array<i32>} : memref<1x1xf32, #tpu.memory_space<vmem>>, vector<1x1xf32>,
    return
  }
  func.func @transform_0(%arg0: i32) -> (i32, i32) {
    %c0_i32 = arith.constant 0 : i32
    %c0_i32_0 = arith.constant 0 : i32
    return %arg0, %c0_i32 : i32, i32
  }
  func.func @transform_1(%arg0: i32) -> (i32, i32) {
    %c0_i32 = arith.constant 0 : i32
    %c0_i32_0 = arith.constant 0 : i32
    return %arg0, %c0_i32 : i32, i32
  }
  func.func @transform_2(%arg0: i32) -> (i32, i32) {
    %c0_i32 = arith.constant 0 : i32
    %c0_i32_0 = arith.constant 0 : i32
    %c0_i32_1 = arith.constant 0 : i32
    return %c0_i32, %c0_i32_0 : i32, i32
  }
  func.func @transform_3(%arg0: i32) -> (i32, i32) {
    %c0_i32 = arith.constant 0 : i32
    %c0_i32_0 = arith.constant 0 : i32
    %c0_i32_1 = arith.constant 0 : i32
    return %c0_i32, %c0_i32_0 : i32, i32
  }
  func.func @transform_4(%arg0: i32) -> (i32, i32, i32) {
    %c0_i32 = arith.constant 0 : i32
    %c0_i32_0 = arith.constant 0 : i32
    %c0_i32_1 = arith.constant 0 : i32
    return %arg0, %c0_i32, %c0_i32_0 : i32, i32, i32
  }
  func.func @transform_5(%arg0: i32) -> (i32, i32) {
    %c0_i32 = arith.constant 0 : i32
    %c0_i32_0 = arith.constant 0 : i32
    %c0_i32_1 = arith.constant 0 : i32
    return %c0_i32, %c0_i32_0 : i32, i32
  }
}

</mosaic_0001>

<sc_bundles>
// kernel: kernel.4.cloned.1.call-start
scs
__scs_entry_jumppad:
0x0: {  	(pc) =	sbr.rel $0x88, $3  }
0x1: {  	(tag) =	ssettag $0x0;
	lr =	simm.s32 $0x1  }
0x2: {  	[smem:$0x3F9F] =	sst lr;
	_ =	strace $0xD0000000  }
0x3: {  	_ = 	snop  }
0x4: {  	_ = 	snop  }
0x5: {  	_ = 	snop  }
0x6: {  	_ = 	snop  }
0x7: {  	_ = 	snop  }
__scs_overlays_trampoline_lowered:
0x8: {  	[smem:$0x3FAE] =	sst s0  }
0x9: {  	[smem:$0x3FAF] =	sst s1  }
0xa: {  	[smem:$0x3FB0] =	sst s2  }
0xb: {  	[smem:$0x3FB1] =	sst s3  }
0xc: {  	[smem:$0x3FB2] =	sst s4  }
0xd: {  	[smem:$0x3FB3] =	sst s5  }
0xe: {  	[smem:$0x3FB4] =	sst s6  }
0xf: {  	[smem:$0x3FB5] =	sst s7  }
0x10: {  	[smem:$0x3FB6] =	sst s8  }
0x11: {  	[smem:$0x3FB7] =	sst s9;
	s0 =	simm.s32 @!p0 $0x0  }
0x12: {  	s1 =	sld [smem:$0x3F9D];
	s0 =	simm.s32 @p0 $0x1  }
0x13: {  	[smem:$0x3FB8] =	sst s0;
	s0 =	simm.s32 @!p1 $0x0  }
0x14: {  	s2 =	sld [smem:$0x3F9C];
	s0 =	simm.s32 @p1 $0x1  }
0x15: {  	[smem:$0x3FB9] =	sst s0;
	s0 =	simm.s32 @!p2 $0x0  }
0x16: {  	s3 =	sld [smem:$0x3FDB];
	s0 =	simm.s32 @p2 $0x1  }
0x17: {  	s4 =	simm.s32 $0x1BF5;
	[smem:$0x3FBB] =	sst s0  }
0x18: {  	s0 =	sld [smem:$0x3F9E];
	_ =	swait.ge [sflag:s4], $0x0  }
0x19: {  	s7 =	sld [smem:$0x3F9F]  }
0x1a: {  	s8 =	sadd.s32 $0xFFFFE003, lr  }
0x1b: {  	s9 =	sadd.s32 $0xFFFFFEF7, lr;
	s5 =	simm.s32 $0xFFFFFFFF;
	p2 =	slt.u32 s8, $0xFFFFF086  }
0x1c: {  	p1 =	slt.u32 s9, $0xF7A;
	s5 =	simm.s32 @!p2 $0x0  }
0x1d: {  	s5 =	simm.s32 @p1 $0x1;
	p0 =	seq.s32 s7, s2  }
0x1e: {  	s7 =	smul.u32 @!p0 $0xF7A, s2;
	p2 =	seq.s32 @!p0 s5, $0x0  }
0x1f: {  	s9 =	smul.u32 $0xF7A, s1;
	s8 =	simm.s32 @!p0 $0x1BF5;
	p2 =	por !p2, p0  }
0x20: {  	[sflag:s8] =	ssyncset.s32 @!p0 $0xFFFFF086;
	s6 =	sadd.s32 @!p0 s3, s7;
	s7 =	simm.s32 @!p0 $0x108  }
0x21: {  	s3 =	sadd.s32 s3, s9;
	s6 =	sadd.s32 @!p0 $0x88, s6;
	s7 =	simm.s32 @p2 $0x1082  }
0x22: {  	[simem:s7], [sflag:s8] =	dma.local @!p0 [hbm:s6], $0xF7A  }
0x23: {  	s9 =	sor.u32 $0xD0000000, s2;
	s6 =	simm.s32 $0x108;
	_ =	swait.ge @!p0 [sflag:s8], $0x0  }
0x24: {  	s3 =	sadd.s32 $0x88, s3;
	s6 =	simm.s32 @!p1 $0x1082;
	[sflag:s4] =	ssyncset.s32 $0xFFFFF086  }
0x25: {  	[simem:s6], [sflag:s4] =	dma.local [hbm:s3], $0xF7A  }
0x26: {  	[smem:$0x3F9F] =	sst s1;
	(tag) =	ssettag s2;
	_ =	strace s9  }
0x27: {  	s1 =	sld [smem:$0x3FAF]  }
0x28: {  	s2 =	sld [smem:$0x3FB0]  }
0x29: {  	s4 =	sld [smem:$0x3FB2]  }
0x2a: {  	p0 =	seq.s32 s5, $0x0;
	s5 =	sld [smem:$0x3FB3]  }
0x2b: {  	s6 =	sld [smem:$0x3FB4]  }
0x2c: {  	s7 =	sld [smem:$0x3FB5]  }
0x2d: {  	s3 =	simm.s32 $0x108;
	s8 =	sld [smem:$0x3FB6]  }
0x2e: {  	s3 =	simm.s32 @!p0 $0x1082;
	s9 =	sld [smem:$0x3FB7]  }
0x2f: {  	lr =	sadd.s32 s0, s3;
	s0 =	sld [smem:$0x3FAE]  }
0x30: {  	s3 =	sld [smem:$0x3FB1]  }
0x31: {  	[smem:$0x3FBA] =	sst s10  }
0x32: {  	s10 =	sld [smem:$0x3FB8];
	_ =	sdelay $0x3  }
0x33: {  	p0 =	seq.s32 s10, $0x1;
	s10 =	sld [smem:$0x3FBA];
	_ =	sdelay $0x3  }
0x34: {  	[smem:$0x3FBA] =	sst s10  }
0x35: {  	s10 =	sld [smem:$0x3FB9];
	_ =	sdelay $0x3  }
0x36: {  	p1 =	seq.s32 s10, $0x1;
	s10 =	sld [smem:$0x3FBA];
	_ =	sdelay $0x3  }
0x37: {  	[smem:$0x3FBA] =	sst s10  }
0x38: {  	s10 =	sld [smem:$0x3FBB]  }
0x39: {  	_ = 	snop;
	(pc) =	sbr.ind lr, $3  }
0x3a: {  	_ = 	snop  }
0x3b: {  	_ = 	snop  }
0x3c: {  	p2 =	seq.s32 s10, $0x1;
	s10 =	sld [smem:$0x3FBA]  }
0x3d: {  	_ =	shalt  }
0x3e: {  	_ =	shalt  }
0x3f: {  	_ =	shalt  }
0x40: {  	_ =	shalt  }
0x41: {  	_ =	shalt  }
0x42: {  	_ =	shalt  }
0x43: {  	_ =	shalt  }
0x44: {  	_ =	shalt  }
0x45: {  	_ =	shalt  }
0x46: {  	_ =	shalt  }
0x47: {  	_ =	shalt  }
0x48: {  	_ =	shalt  }
0x49: {  	_ =	shalt  }
0x4a: {  	_ =	shalt  }
0x4b: {  	_ =	shalt  }
0x4c: {  	_ =	shalt  }
0x4d: {  	_ =	shalt  }
0x4e: {  	_ =	shalt  }
0x4f: {  	_ =	shalt  }
0x50: {  	_ =	shalt  }
0x51: {  	_ =	shalt  }
0x52: {  	_ =	shalt  }
0x53: {  	_ =	shalt  }
0x54: {  	_ =	shalt  }
0x55: {  	_ =	shalt  }
0x56: {  	_ =	shalt  }
0x57: {  	_ =	shalt  }
0x58: {  	_ =	shalt  }
0x59: {  	_ =	shalt  }
0x5a: {  	_ =	shalt  }
0x5b: {  	_ =	shalt  }
0x5c: {  	_ =	shalt  }
0x5d: {  	_ =	shalt  }
0x5e: {  	_ =	shalt  }
0x5f: {  	_ =	shalt  }
0x60: {  	_ =	shalt  }
0x61: {  	_ =	shalt  }
0x62: {  	_ =	shalt  }
0x63: {  	_ =	shalt  }
0x64: {  	_ =	shalt  }
0x65: {  	_ =	shalt  }
0x66: {  	_ =	shalt  }
0x67: {  	_ =	shalt  }
0x68: {  	_ =	shalt  }
0x69: {  	_ =	shalt  }
0x6a: {  	_ =	shalt  }
0x6b: {  	_ =	shalt  }
0x6c: {  	_ =	shalt  }
0x6d: {  	_ =	shalt  }
0x6e: {  	_ =	shalt  }
0x6f: {  	_ =	shalt  }
0x70: {  	_ =	shalt  }
0x71: {  	_ =	shalt  }
0x72: {  	_ =	shalt  }
0x73: {  	_ =	shalt  }
0x74: {  	_ =	shalt  }
0x75: {  	_ =	shalt  }
0x76: {  	_ =	shalt  }
0x77: {  	_ =	shalt  }
0x78: {  	_ =	shalt  }
0x79: {  	_ =	shalt  }
0x7a: {  	_ =	shalt  }
0x7b: {  	_ =	shalt  }
0x7c: {  	_ =	shalt  }
0x7d: {  	_ =	shalt  }
0x7e: {  	_ =	shalt  }
0x7f: {  	_ =	shalt  }
0x80: {  	_ =	shalt  }
0x81: {  	_ =	shalt  }
0x82: {  	_ =	shalt  }
0x83: {  	_ =	shalt  }
0x84: {  	_ =	shalt  }
0x85: {  	_ =	shalt  }
0x86: {  	_ =	shalt  }
0x87: {  	_ =	shalt  }
.Lfunc_end0:
.L_simem_size_0:
called_computation_lowered:
.L_overlay_start_0:
0x88: {  	s2 =	sld [smem:$0x3FD9]  }
0x89: {  	s3 =	sld [smem:$0x3FFE];
	_ =	sdelay $0x1  }
0x8a: {  	s1 =	srdreg.scid  }
0x8b: {  	s0 =	sand.u32 $0x1, s1  }
0x8c: {  	s14 =	sshll.u32 s0, $0xA;
	s2 =	sadd.s32 s3, s2  }
0x8d: {  	s2 =	sadd.s32 s2, s14  }
0x8e: {  	[smem:$0x3FC6] =	sst s2  }
0x8f: {  	_ = 	snop  }
0x90: {  	s2 =	sld [smem:$0x3FD0];
	_ =	sdelay $0x2  }
0x91: {  	s15 =	simm.s32 $0xA;
	s4 =	simm.s32 $0x10  }
0x92: {  	[smem:s4], [sflag:s15] =	dma.local [hbm:s2], $0x1  }
0x93: {  	_ =	swait.eq [sflag:s15], $0x1  }
0x94: {  	[sflag:s15] =	ssyncset.done $0x0  }
0x95: {  	[sflag:s15] =	ssyncadd.s32 $0xFFFFFFFF  }
0x96: {  	s16 =	sld [smem:$0x10];
	(tm) =	ssettm $0x1  }
0x97: {  	s17 =	sld [smem:$0x3FFB];
	_ =	sdelay $0x3  }
0x98: {  	_ =	strace s17  }
0x99: {  	s3 =	sld [smem:$0x3FFC];
	_ =	sdelay $0x3  }
0x9a: {  	_ =	strace s3  }
0x9b: {  	s3 =	sld [smem:$0x3FFD];
	_ =	sdelay $0x3  }
0x9c: {  	_ =	strace s3  }
0x9d: {  	_ =	strace $0x8FFFFFFF  }
0x9e: {  	s18 =	sld [smem:$0x3FDB];
	_ =	sdelay $0x1  }
0x9f: {  	s19 =	simm.s32 $_scs_section_size  }
0xa0: {  	s5 =	simm.s32 $_size__tile_overlayer_lowered;
	s6 =	simm.s32 $_tile_overlayer_lowered  }
0xa1: {  	s22 =	simm.s32 $0x1BFF;
	s21 =	sshll.u32 s6, $0x1;
	s3 =	sadd.s32 s19, s18  }
0xa2: {  	s7 =	simm.s32 $0x0;
	s20 =	sshll.u32 s5, $0x1;
	s5 =	sadd.s32 s21, s3  }
0xa3: {  	[timem:s7], [sflag:s22] =	dma.local [hbm:s5], s20  }
0xa4: {  	_ =	swait.ge [sflag:s22], s20  }
0xa5: {  	s4 =	ssub.s32 $0x0, s20;
	[sflag:s22] =	ssyncset.done $0x0  }
0xa6: {  	[sflag:s22] =	ssyncadd.s32 s4;
	_ =	sdelay $0x1  }
0xa7: {  	s23 =	simm.s32 $0x1B8B  }
0xa8: {  	_ =	swait.ge [sflag:s23], $0x1  }
0xa9: {  	[sflag:s23] =	ssyncset.done $0x0  }
0xaa: {  	s25 =	simm.s32 $0x1B8E;
	s24 =	sld [smem:$0x3FFE];
	[sflag:s23] =	ssyncadd.s32 $0xFFFFFFFF  }
0xab: {  	s26 =	simm.s32 $execute0_lowered;
	[smem:$0x3FD2] =	sst s25  }
0xac: {  	s5 =	sshll.u32 s26, $0x1;
	_ =	strace $0x80000046;
	[dreg:$0x1] =	wrdreg $0xFFFFFFFF  }
0xad: {  	s28 =	simm.s32 $_size_execute0_lowered;
	s3 =	sadd.s32 s3, s5;
	[dreg:$0x0] =	wrdreg $0x0  }
0xae: {  	s5 =	sshll.u32 s28, $0x1;
	[dreg:$0x2] =	wrdreg s3  }
0xaf: {  	[dreg:$0x3] =	wrdreg s5  }
0xb0: {  	[dreg:$0x4] =	wrdreg $0xC0  }
0xb1: {  	_ =	task [dreg:s7], $0x5FFFF  }
0xb2: {  	[dreg:$0x1] =	wrdreg $0xFFFFFFFF  }
0xb3: {  	[dreg:$0x0] =	wrdreg $0x60  }
0xb4: {  	[dreg:$0x2] =	wrdreg s24  }
0xb5: {  	[dreg:$0x3] =	wrdreg s16  }
0xb6: {  	[dreg:$0x4] =	wrdreg $0x9  }
0xb7: {  	_ =	task.clear_ibuf [dreg:s7], $0x5FFFF;
	_ =	strace $0x90000046  }
0xb8: {  	s29 =	simm.s32 $0x9;
	_ =	strace $0x80000048  }
0xb9: {  	_ =	swait.ge [sflag:s29], $0x1  }
0xba: {  	[sflag:s29] =	ssyncadd.s32 $0xFFFFFFFF  }
0xbb: {  	_ =	strace $0x90000048  }
0xbc: {  	_ =	sfence  }
0xbd: {  	s30 =	sld [smem:$0x0];
	_ =	sdelay $0x2  }
0xbe: {  	s31 =	sshll.u32 s1, $0xD;
	s1 =	sshrl.u32 s1, $0x2  }
0xbf: {  	s3 =	sand.u32 $0x4000, s31;
	s1 =	sadd.s32 s1, s30  }
0xc0: {  	s0 =	sor.u32 s3, s0;
	s1 =	sshll.u32 s1, $0x11  }
0xc1: {  	s0 =	sor.u32 s1, s0  }
0xc2: {  	s0 =	sadd.s32 $0x8F2B, s0  }
0xc3: {  	[sflag:s0] =	ssyncadd.remote.s32 $0x1  }
0xc4: {  	_ =	sfence.sel $0xFFFF  }
0xc5: {  	[dreg:$0x0] =	wrdreg $0xFFFFFFFF;
	(pc) =	sbr.abs _section_cstart, $3  }
0xc6: {  	[dreg:$0x1] =	wrdreg $0xFFFFFFFF  }
0xc7: {  	_ =	task.clear_ibuf [dreg:s7], $0x2FFFF;
	_ =	strace $0x9FFFFFFF  }
0xc8: {  	(tm) =	ssettm $0x7FFFFFFF  }
0xc9: {  	_ =	shalt  }
tec
execute0_lowered:
.L_overlay_start_1:
0x0: {  	(tag) =	ssettag $0x1  }
0x1: {  	s4 =	rddreg [dreg:$0x0]  }
0x2: {  	s5 =	rddreg [dreg:$0x1]  }
0x3: {  	s0 =	rddreg [dreg:$0x2];
	s2 =	simm.s32 $0x0;
	s3 =	srdreg.scid  }
0x4: {  	s1 =	stileid.u32;
	s10 =	simm.s32 $0x100;
	s11 =	simm.s32 $0x1  }
0x5: {  	s12 =	simm.s32 $0x4100;
	s13 =	simm.s32 $0x8100;
	s14 =	simm.s32 $0x0  }
0x6: {  	[smem:$0x7FF] =	sst s2;
	s6 =	sand.u32 $0x1, s3;
	s30 =	sshll.u32 s1, $0x1  }
0x7: {  	s3 =	sadd.s32 $0x20400, s4;
	s7 =	sor.u32 s6, s30;
	s6 =	ssub.s32 $0x2, s6  }
0x8: {  	_ =	strace $0x80000047;
	s8 =	sshll.u32 s7, $0xC;
	s31 =	sshrl.u32 s6, $0x1  }
0x9: {  	s7 =	sshll.u32 s7, $0x5;
	s8 =	sadd.s32 s8, s4;
	s9 =	ssub.s32 s6, s31  }
0xa: {  	s4 =	sadd.s32 s5, s7;
	s5 =	sadd.s32 $0x400, s8;
	s6 =	sadd.s32 $0x40400, s8  }
0xb: {  	s7 =	smax.u32 s9, $0x1;
	s8 =	simm.s32 $0x2;
	s9 =	simm.s32 $0x80  }
.LBB2_1:
0xc: {  	[tilespmem:s2], [sflag:$0x2] =	stream.linear.gather [hbm4b:s4+s2], $0x100, $0x38;
	[tilespmem:$0x10100] =	vst v63  }
0xd: {  	_ =	swait.ge [sflag:s8], $0x100  }
0xe: {  	[sflag:s8] =	ssyncset.done $0x0  }
0xf: {  	[sflag:s8] =	ssyncadd.s32 $0xFFFFFF00  }
0x10: {  	[tilespmem:s10], [sflag:$0x1] =	stream.indirect.gather [hbm4b:s3+s9], $0x80, s2, s9, $0xb8;
	[tilespmem:$0x10100] =	vst v63  }
0x11: {  	_ =	swait.ge [sflag:s11], $0x4000  }
0x12: {  	[sflag:s11] =	ssyncset.done $0x0  }
0x13: {  	[sflag:s11] =	ssyncadd.s32 $0xFFFFC000  }
0x14: {  	[tilespmem:s12], [sflag:$0x1] =	stream.indirect.gather [hbm4b:s3+s9], $0x80, s9, s9, $0xb8;
	[tilespmem:$0x10100] =	vst v63  }
0x15: {  	_ =	swait.ge [sflag:s11], $0x4000  }
0x16: {  	[sflag:s11] =	ssyncset.done $0x0  }
0x17: {  	[sflag:s11] =	ssyncadd.s32 $0xFFFFC000  }
0x18: {  	[tilespmem:s13], [sflag:$0x2] =	stream.linear.gather [hbm4b:s5+s2], $0x8000, $0x38;
	[tilespmem:$0x10100] =	vst v63  }
0x19: {  	_ =	swait.ge [sflag:s8], $0x8000  }
0x1a: {  	[sflag:s8] =	ssyncset.done $0x0  }
0x1b: {  	s15 =	simm.s32 $0x0;
	[sflag:s8] =	ssyncadd.s32 $0xFFFF8000  }
0x1c: {  	v0 =	vld [tilespmem:s15+$0x100]  }
0x1d: {  	v2 =	vld [tilespmem:s15+$0x110]  }
0x1e: {  	s16 =	simm.s32 $0x200;
	v1 =	vld [tilespmem:s15+$0x8100]  }
.LBB2_2:
0x1f: {  	p0 =	sne.s32 s16, $0x1FE00;
	v3 =	vld [tilespmem:s15+$0x8110];
	_ =	sdelay $0x3  }
0x20: {  	v0 =	vsub.f32 v0, v1  }
.Ltmp0:
0x21: {  	v2 =	vsub.f32 v2, v3;
	(pc) =	sbr.rel @p0 .LBB2_2-.Ltmp0, $4  }
0x22: {  	s17 =	sshra.s32 s16, $0x2;
	v1 =	vadd.f32 v0, v1  }
0x23: {  	v0 =	vld [tilespmem:s17+$0x100];
	v3 =	vadd.f32 v2, v3  }
0x24: {  	v2 =	vld [tilespmem:s17+$0x110];
	[tilespmem:s15+$0x8100] =	vst v1  }
0x25: {  	s16 =	sadd.s32 $0x200, s16;
	v1 =	vld [tilespmem:s17+$0x8100];
	[tilespmem:s15+$0x8110] =	vst v3;
	s15 =	smov.u32 s17  }
0x26: {  	v3 =	vld [tilespmem:s15+$0x8110];
	_ =	sdelay $0x3  }
0x27: {  	v0 =	vsub.f32 v0, v1  }
0x28: {  	v2 =	vsub.f32 v2, v3  }
0x29: {  	v0 =	vadd.f32 v0, v1  }
0x2a: {  	s14 =	sadd.s32 $0x1, s14;
	v63 =	vadd.f32 v2, v3  }
0x2b: {  	p0 =	sne.s32 s14, s7;
	[tilespmem:s15+$0x8100] =	vst v0  }
.Ltmp1:
0x2c: {  	[tilespmem:s15+$0x8110] =	vst v63;
	(pc) =	sbr.rel @p0 .LBB2_1-.Ltmp1, $4  }
0x2d: {  	[hbm4b:s6+s2] =	stream.linear.scatter [tilespmem:s13], [sflag:$0x2], $0x8000, $0x38;
	[tilespmem:$0x10100] =	vst v63  }
0x2e: {  	_ =	swait.ge [sflag:s8], $0x8000  }
0x2f: {  	[sflag:s8] =	ssyncset.done $0x0  }
0x30: {  	[sflag:s8] =	ssyncadd.s32 $0xFFFF8000  }
0x31: {  	_ =	sfence.sel $0x180000  }
0x32: {  	[bflag:$0x0] =	sbarrier.arrive $0xFFFF  }
0x33: {  	p0 =	sne.s32 s1, $0x0;
	_ =	strace $0x90000047  }
0x34: {  	s0 =	sadd.s32 @!p0 $0x100000, s0;
	[bflag:$0x2] =	sbarrier.arrive $0xFFFF  }
0x35: {  	[sflag:s0] =	ssyncadd.tile.s32 @!p0 $0x1;
	_ =	shalt  }
.Lfunc_end2:
_tile_overlayer_lowered:
.L_overlay_start_2:
0x36: {  	(tag) =	ssettag $0x2  }
0x37: {  	s0 =	rddreg [dreg:$0x0];
	s2 =	stileid.u32  }
0x38: {  	s1 =	rddreg [dreg:$0x1];
	p0 =	sne.s32 s2, $0x0  }
0x39: {  	s3 =	rddreg [dreg:$0x2];
	[bflag:$0x3] =	sbarrier.arrive $0xFFFF;
	s2 =	simm.s32 @!p0 $0x1C02  }
0x3a: {  	[timem:s3], [sflag:s2] =	dma.local @!p0 [hbm:s0], s1  }
0x3b: {  	s0 =	simm.s32 @!p0 $0x2  }
0x3c: {  	_ =	swait.ge @!p0 [sflag:s0], s1  }
0x3d: {  	s1 =	ssub.s32 @!p0 $0x0, s1;
	[sflag:s0] =	ssyncset.done @!p0 $0x0  }
0x3e: {  	[sflag:s0] =	ssyncadd.s32 @!p0 s1  }
0x3f: {  	[bflag:$0x3] =	sbarrier.arrive $0xFFFF  }
0x40: {  	_ =	shalt  }

</sc_bundles>
